<compile_context>
chip_gen: v7x
topology: tpu7x:2x2x1
jax: 0.10.2.dev20260603
libtpu: 0.0.44.dev20260713+nightly
codegen_flags: <defaults>
</compile_context>

<pallas_src>
import functools

import jax
import jax.numpy as jnp
from jax import lax
from jax.experimental import pallas as pl
from jax.experimental.pallas import tpu as pltpu
from jax.experimental.pallas import tpu_sc as plsc

_N_NODES = 100000
_N_EDGES = 1600000


_NROWS = 784
_NP = _NROWS * 128
_RG = 112
_NGRP = _NROWS // _RG
_EPT_H = _N_EDGES // 16
_H_CHUNK = 4000
_EPT_G = _N_EDGES // 32
_G_CHUNK = 2000

_sc_mesh = plsc.VectorSubcoreMesh(core_axis_name="c", subcore_axis_name="s")


@functools.partial(
    pl.kernel,
    out_type=jax.ShapeDtypeStruct((_N_EDGES,), jnp.float32),
    mesh=_sc_mesh,
    scratch_types=[
        pltpu.VMEM((_NROWS, 128), jnp.float32),
        pltpu.VMEM((_H_CHUNK,), jnp.int32),
        pltpu.VMEM((_G_CHUNK,), jnp.float32),
        pltpu.VMEM((_NGRP, _RG), jnp.int32),
        pltpu.VMEM_SHARED((_NROWS, 128), jnp.float32),
    ],
    compiler_params=pltpu.CompilerParams(needs_layout_passes=False),
)
def _sc_edge_counts(dst_hbm, rows_hbm, cnt_hbm, hist, dchunk, wchunk,
                    idx2d, sh_acc):
    cid = lax.axis_index("c")
    sid = lax.axis_index("s")
    zeros16 = jnp.zeros((16,), jnp.float32)
    ones16 = jnp.ones((16,), jnp.float32)

    pltpu.sync_copy(rows_hbm, idx2d)

    def zrow(g, carry):
        def zi(j, c2):
            hist[g, pl.ds(j * 16, 16)] = zeros16
            return c2
        lax.fori_loop(0, 8, zi, 0)
        return carry
    lax.fori_loop(0, _NROWS, zrow, 0)

    @pl.when(sid == 0)
    def _():
        pltpu.sync_copy(hist, sh_acc)

    hbase = sid * _EPT_H

    def chunk1(k, carry):
        pltpu.sync_copy(dst_hbm.at[pl.ds(hbase + k * _H_CHUNK, _H_CHUNK)], dchunk)

        def vec1(j, c2):
            idx = dchunk[pl.ds(j * 16, 16)]
            plsc.addupdate_scatter(hist, [idx >> 7, idx & 127], ones16)
            return c2
        lax.fori_loop(0, _H_CHUNK // 16, vec1, 0)
        return carry
    lax.fori_loop(0, _EPT_H // _H_CHUNK, chunk1, 0)

    plsc.subcore_barrier()

    def grp(g, carry):
        pltpu.sync_copy(hist.at[pl.ds(g * _RG, _RG)], sh_acc.at[idx2d.at[g]],
                        add=True)
        return carry
    lax.fori_loop(0, _NGRP, grp, 0)

    plsc.subcore_barrier()

    pltpu.sync_copy(sh_acc, hist)

    gbase = (sid * 2 + cid) * _EPT_G

    def chunk3(k, carry):
        base = gbase + k * _G_CHUNK
        pltpu.sync_copy(dst_hbm.at[pl.ds(base, _G_CHUNK)],
                        dchunk.at[pl.ds(0, _G_CHUNK)])

        def vec3(j, c2):
            d = pl.ds(j * 16, 16)
            idx = dchunk[d]
            wchunk[d] = plsc.load_gather(hist, [idx >> 7, idx & 127])
            return c2
        lax.fori_loop(0, _G_CHUNK // 16, vec3, 0)
        pltpu.sync_copy(wchunk, cnt_hbm.at[pl.ds(base, _G_CHUNK)])
        return carry
    lax.fori_loop(0, _EPT_G // _G_CHUNK, chunk3, 0)



_TE = 32000
_GRID = _N_EDGES // _TE
_TR = 64000
_GRID_R = _N_EDGES // _TR
_TNR = 5120
_NPAD = _GRID_R * _TNR


def _elu(v):
    return jnp.where(v > 0, v, jnp.exp(v) - 1.0)


def _mlp_body(eaT_ref, w1_ref, b1_ref, w2_ref, b2_ref, w3_ref, b3_ref, m_ref):
    h = jnp.dot(w1_ref[...], eaT_ref[...], preferred_element_type=jnp.float32)
    h = _elu(h + b1_ref[...])
    h = jnp.dot(w2_ref[...], h, preferred_element_type=jnp.float32)
    h = _elu(h + b2_ref[...])
    h = jnp.dot(w3_ref[...], h, preferred_element_type=jnp.float32) + b3_ref[...]
    m_ref[...] = h[0:3, :] + h[3:6, :] + h[6:9, :]


def _reduce_body(m_ref, we_ref, xT_ref, c1_ref, d1_ref, c2_ref, d2_ref,
                 c3_ref, d3_ref, c4_ref, d4_ref, out_ref, acc_ref):
    i = pl.program_id(0)

    @pl.when(i == 0)
    def _():
        acc_ref[...] = jnp.zeros_like(acc_ref)

    we = 1.0 / jnp.maximum(we_ref[...].reshape(1, _TR), 1.0)
    acc_ref[...] += (jnp.sum(xT_ref[...], axis=1, keepdims=True)
                     + jnp.sum(m_ref[...] * we, axis=1, keepdims=True))

    @pl.when(i == _GRID_R - 1)
    def _():
        g = acc_ref[...] * (1.0 / _N_NODES)
        g = _elu(jnp.dot(c1_ref[...], g, preferred_element_type=jnp.float32)
                 + d1_ref[...])
        g = _elu(jnp.dot(c2_ref[...], g, preferred_element_type=jnp.float32)
                 + d2_ref[...])
        g = _elu(jnp.dot(c3_ref[...], g, preferred_element_type=jnp.float32)
                 + d3_ref[...])
        out_ref[...] = (jnp.dot(c4_ref[...], g, preferred_element_type=jnp.float32)
                        + d4_ref[...])


def _full(shape):
    return pl.BlockSpec(shape, lambda i: (0, 0))


_mlp_call = pl.pallas_call(
    _mlp_body,
    grid=(_GRID,),
    in_specs=[
        pl.BlockSpec((9, _TE), lambda i: (0, i)),
        _full((48, 9)), _full((48, 1)),
        _full((24, 48)), _full((24, 1)),
        _full((9, 24)), _full((9, 1)),
    ],
    out_specs=pl.BlockSpec((3, _TE), lambda i: (0, i)),
    out_shape=jax.ShapeDtypeStruct((3, _N_EDGES), jnp.float32),
)

_reduce_call = pl.pallas_call(
    _reduce_body,
    grid=(_GRID_R,),
    in_specs=[
        pl.BlockSpec((3, _TR), lambda i: (0, i)),
        pl.BlockSpec((1, 1, _TR), lambda i: (i, 0, 0)),
        pl.BlockSpec((3, _TNR), lambda i: (0, i)),
        _full((16, 3)), _full((16, 1)),
        _full((8, 16)), _full((8, 1)),
        _full((4, 8)), _full((4, 1)),
        _full((2, 4)), _full((2, 1)),
    ],
    out_specs=pl.BlockSpec((2, 1), lambda i: (0, 0)),
    out_shape=jax.ShapeDtypeStruct((2, 1), jnp.float32),
    scratch_shapes=[pltpu.VMEM((3, 1), jnp.float32)],
)


def _block_diag(blocks):
    r, c = blocks[0].shape
    out = jnp.zeros((len(blocks) * r, len(blocks) * c), jnp.float32)
    for i, blk in enumerate(blocks):
        out = out.at[i * r:(i + 1) * r, i * c:(i + 1) * c].set(blk)
    return out


def kernel(x, edge_index, edge_attr, mp_params, clf_params):
    dst = edge_index[1]
    rows = jnp.arange(_NROWS, dtype=jnp.int32).reshape(_NGRP, _RG)
    we = _sc_edge_counts(dst, rows)

    w1t = jnp.concatenate([p[0][0].T for p in mp_params], axis=0)
    b1t = jnp.concatenate([p[0][1] for p in mp_params])[:, None]
    w2t = _block_diag([p[1][0].T for p in mp_params])
    b2t = jnp.concatenate([p[1][1] for p in mp_params])[:, None]
    w3t = _block_diag([p[2][0].T for p in mp_params])
    b3t = jnp.concatenate([p[2][1] for p in mp_params])[:, None]
    (c1, d1), (c2, d2), (c3, d3), (c4, d4) = clf_params

    xt_pad = jnp.pad(x.T, ((0, 0), (0, _NPAD - _N_NODES)))
    m = _mlp_call(edge_attr.T, w1t, b1t, w2t, b2t, w3t, b3t)
    out = _reduce_call(m, we.reshape(_GRID_R, 1, _TR), xt_pad,
                       c1.T, d1[:, None], c2.T, d2[:, None],
                       c3.T, d3[:, None], c4.T, d4[:, None])
    return out.reshape(1, 2)

# --- scband reference (transcript-rebuilt; emitter-appended) ---
"""Pipeline reference for scband-jet-gnn-30940944400734 (READ-ONLY COPY).

The authoritative reference and input builder live on the scoring server;
editing this copy changes nothing except your own understanding.
"""

import jax, jax.numpy as jnp
import numpy as np

N_NODES = 100000
N_EDGES = 1600000
MP_SIZES = [9, 16, 8, 3]
CLF_SIZES = [3, 16, 8, 4, 2]
NUM_MP = 3


def _mlp_params(key, sizes):
    params = []
    for i, (a, b) in enumerate(zip(sizes[:-1], sizes[1:])):
        key, k1 = jax.random.split(key)
        W = jax.random.normal(k1, (a, b), dtype=jnp.float32) * (1.0 / np.sqrt(a))
        bb = jnp.zeros((b,), dtype=jnp.float32)
        params.append((W, bb))
    return params


def setup_inputs(seed: int = 0):
    key = jax.random.key(seed)
    ks = jax.random.split(key, 4)
    x = jax.random.normal(ks[0], (N_NODES, 3), dtype=jnp.float32)
    edge_index = jax.random.randint(ks[1], (2, N_EDGES), 0, N_NODES, dtype=jnp.int32)
    edge_attr = jax.random.normal(ks[2], (N_EDGES, 9), dtype=jnp.float32)
    mp_params = [_mlp_params(jax.random.fold_in(ks[3], i), MP_SIZES) for i in range(NUM_MP)]
    clf_params = _mlp_params(jax.random.fold_in(ks[3], 1000), CLF_SIZES)
    return {"x": x, "edge_index": edge_index, "edge_attr": edge_attr,
            "mp_params": mp_params, "clf_params": clf_params}


def _mlp(params, h):
    n = len(params)
    for i, (W, b) in enumerate(params):
        h = h @ W + b
        if i < n - 1:
            h = jax.nn.elu(h)
    return h


def reference(x, edge_index, edge_attr, mp_params, clf_params):
    # Correlation message passing: per-edge MLP on the 9-dim correlation
    # edge features, mean-aggregated (scatter-mean) onto destination nodes,
    # with residual connections (node dim 3 == MP output dim 3).
    dst = edge_index[1]
    ones = jnp.ones((dst.shape[0], 1), dtype=jnp.float32)
    cnt = jax.ops.segment_sum(ones, dst, num_segments=N_NODES)
    cnt = jnp.maximum(cnt, 1.0)
    for params in mp_params:
        msg = _mlp(params, edge_attr)  # [E, 3]
        agg = jax.ops.segment_sum(msg, dst, num_segments=N_NODES)  # scatter-add
        x_new = agg / cnt  # scatter-mean
        x = x + x_new  # residual
    # Global mean pooling (single graph: batch == zeros)
    g = jnp.mean(x, axis=0, keepdims=True)  # [1, 3]
    # Classifier MLP (dropout is identity in eval mode)
    logits = _mlp(clf_params, g)  # [1, 2]
    return logits

if __name__ == "__main__":
    import jax
    _d = setup_inputs()
    print(jax.jit(kernel)(*tuple(_d.values())))

</pallas_src>

<mosaic_0001>
#map = affine_map<(d0, d1) -> (0)>
#map1 = affine_map<(d0, d1) -> (0, 0)>
module attributes {stable_mosaic.version = 14 : i64} {
  func.func @_sc_edge_counts(%arg0: i32, %arg1: i32, %arg2: memref<1600000xi32, #tpu.memory_space<hbm>>, %arg3: memref<7x112xi32, #tpu.memory_space<hbm>>, %arg4: memref<1600000xf32, #tpu.memory_space<hbm>>, %arg5: memref<784x128xf32, #tpu.memory_space<vmem>>, %arg6: memref<4000xi32, #tpu.memory_space<vmem>>, %arg7: memref<2000xf32, #tpu.memory_space<vmem>>, %arg8: memref<7x112xi32, #tpu.memory_space<vmem>>, %arg9: memref<784x128xf32, #tpu.memory_space<vmem_shared>>) attributes {dimension_semantics = [#tpu.dimension_semantics<core_parallel>, #tpu.dimension_semantics<subcore_parallel>], iteration_bounds = array<i64: 2, 16>, scalar_prefetch = 0 : i64, scratch_operands = 5 : i64, tpu.core_type = #tpu.core_type<sc_vector_subcore>, window_params = [{transform_indices = #map}, {transform_indices = #map1}, {transform_indices = #map}]} {
    %broadcast_in_dim3A = arith.constant 0.000000e+00 : f32
    %broadcast_in_dim3A_0 = vector.broadcast %broadcast_in_dim3A : f32 to vector<16xf32>
    %broadcast_in_dim3A_1 = arith.constant 1.000000e+00 : f32
    %broadcast_in_dim3A_2 = vector.broadcast %broadcast_in_dim3A_1 : f32 to vector<16xf32>
    "tpu.region"() ({
      %run_scoped3A = tpu.sem_alloc : memref<!tpu.dma_semaphore, #tpu.memory_space<semaphore_mem>>
      tpu.enqueue_dma source(%arg3 : memref<7x112xi32, #tpu.memory_space<hbm>>) target(%arg8 : memref<7x112xi32, #tpu.memory_space<vmem>>) target_semaphore(%run_scoped3A : memref<!tpu.dma_semaphore, #tpu.memory_space<semaphore_mem>>)
      tpu.wait_dma2 semaphore(%run_scoped3A : memref<!tpu.dma_semaphore, #tpu.memory_space<semaphore_mem>>) src(%arg3 : memref<7x112xi32, #tpu.memory_space<hbm>>) dst(%arg8 : memref<7x112xi32, #tpu.memory_space<vmem>>)
      tpu.yield
    }) : () -> ()
    %scan3A = arith.constant 0 : i32
    %scan3A_3 = arith.constant 0 : i32
    %scan3A_4 = arith.constant 784 : i32
    %scan3A_5 = arith.addi %scan3A_3, %scan3A_4 : i32
    %scan3A_6 = arith.constant 1 : i32
    scf.for %scan3A_34 = %scan3A_3 to %scan3A_5 step %scan3A_6  : i32 {
      %scan3A_35 = arith.constant 0 : i32
      %scan3A_36 = arith.constant 0 : i32
      %scan3A_37 = arith.constant 8 : i32
      %scan3A_38 = arith.addi %scan3A_36, %scan3A_37 : i32
      %scan3A_39 = arith.constant 1 : i32
      scf.for %scan3A_41 = %scan3A_36 to %scan3A_38 step %scan3A_39  : i32 {
        %mul3A_42 = arith.constant 16 : i32
        %mul3A_43 = arith.muli %scan3A_41, %mul3A_42 : i32
        %swap3A = arith.index_cast %scan3A_34 : i32 to index
        %swap3A_44 = arith.index_cast %mul3A_43 : i32 to index
        %swap3A_45 = tpu.vector_load %arg5[%swap3A, %swap3A_44] {strides = array<i32>} : memref<784x128xf32, #tpu.memory_space<vmem>>, vector<16xf32>,
        tpu.vector_store %arg5[%swap3A, %swap3A_44], %broadcast_in_dim3A_0 {strides = array<i32>} : memref<784x128xf32, #tpu.memory_space<vmem>>, vector<16xf32>,
      }
      %scan3A_40 = arith.constant 8 : i32
    }
    %scan3A_7 = arith.constant 784 : i32
    %eq3A = arith.constant 0 : i32
    %eq3A_8 = arith.cmpi eq, %arg1, %eq3A : i32
    %convert_element_type3A = arith.extui %eq3A_8 : i1 to i32
    %cond3A = arith.constant 0 : i32
    %cond3A_9 = arith.cmpi ne, %convert_element_type3A, %cond3A : i32
    scf.if %cond3A_9 {
      "tpu.region"() ({
        %run_scoped3A = tpu.sem_alloc : memref<!tpu.dma_semaphore, #tpu.memory_space<semaphore_mem>>
        tpu.enqueue_dma source(%arg5 : memref<784x128xf32, #tpu.memory_space<vmem>>) target(%arg9 : memref<784x128xf32, #tpu.memory_space<vmem_shared>>) target_semaphore(%run_scoped3A : memref<!tpu.dma_semaphore, #tpu.memory_space<semaphore_mem>>)
        tpu.wait_dma2 semaphore(%run_scoped3A : memref<!tpu.dma_semaphore, #tpu.memory_space<semaphore_mem>>) src(%arg5 : memref<784x128xf32, #tpu.memory_space<vmem>>) dst(%arg9 : memref<784x128xf32, #tpu.memory_space<vmem_shared>>)
        tpu.yield
      }) : () -> ()
    } else {
    }
    %mul3A = arith.constant 100000 : i32
    %mul3A_10 = arith.muli %arg1, %mul3A : i32
    %scan3A_11 = arith.constant 0 : i32
    %scan3A_12 = arith.constant 0 : i32
    %scan3A_13 = arith.constant 25 : i32
    %scan3A_14 = arith.addi %scan3A_12, %scan3A_13 : i32
    %scan3A_15 = arith.constant 1 : i32
    scf.for %scan3A_34 = %scan3A_12 to %scan3A_14 step %scan3A_15  : i32 {
      %mul3A_35 = arith.constant 4000 : i32
      %mul3A_36 = arith.muli %scan3A_34, %mul3A_35 : i32
      %add3A_37 = arith.addi %mul3A_10, %mul3A_36 : i32
      "tpu.region"() ({
        %run_scoped3A = tpu.sem_alloc : memref<!tpu.dma_semaphore, #tpu.memory_space<semaphore_mem>>
        %dma_start3A = tpu.memref_slice %arg2[%add3A_37] : memref<1600000xi32, #tpu.memory_space<hbm>> -> memref<4000xi32, #tpu.memory_space<hbm>>
        %dma_start3A_44 = tpu.memref_slice %arg2[%add3A_37] : memref<1600000xi32, #tpu.memory_space<hbm>> -> memref<4000xi32, #tpu.memory_space<hbm>>
        tpu.enqueue_dma source(%dma_start3A_44 : memref<4000xi32, #tpu.memory_space<hbm>>) target(%arg6 : memref<4000xi32, #tpu.memory_space<vmem>>) target_semaphore(%run_scoped3A : memref<!tpu.dma_semaphore, #tpu.memory_space<semaphore_mem>>)
        %dma_wait3A = tpu.memref_slice %arg2[%add3A_37] : memref<1600000xi32, #tpu.memory_space<hbm>> -> memref<4000xi32, #tpu.memory_space<hbm>>
        %dma_wait3A_45 = tpu.memref_slice %arg2[%add3A_37] : memref<1600000xi32, #tpu.memory_space<hbm>> -> memref<4000xi32, #tpu.memory_space<hbm>>
        tpu.wait_dma2 semaphore(%run_scoped3A : memref<!tpu.dma_semaphore, #tpu.memory_space<semaphore_mem>>) src(%dma_wait3A_45 : memref<4000xi32, #tpu.memory_space<hbm>>) dst(%arg6 : memref<4000xi32, #tpu.memory_space<vmem>>)
        tpu.yield
      }) : () -> ()
      %scan3A_38 = arith.constant 0 : i32
      %scan3A_39 = arith.constant 0 : i32
      %scan3A_40 = arith.constant 250 : i32
      %scan3A_41 = arith.addi %scan3A_39, %scan3A_40 : i32
      %scan3A_42 = arith.constant 1 : i32
      scf.for %scan3A_44 = %scan3A_39 to %scan3A_41 step %scan3A_42  : i32 {
        %mul3A_45 = arith.constant 16 : i32
        %mul3A_46 = arith.muli %scan3A_44, %mul3A_45 : i32
        %get3A = arith.index_cast %mul3A_46 : i32 to index
        %get3A_47 = tpu.vector_load %arg6[%get3A] {strides = array<i32>} : memref<4000xi32, #tpu.memory_space<vmem>>, vector<16xi32>,
        %shift_right_arithmetic3A = arith.constant 7 : i32
        %shift_right_arithmetic3A_48 = vector.broadcast %shift_right_arithmetic3A : i32 to vector<16xi32>
        %shift_right_arithmetic3A_49 = arith.shrsi %get3A_47, %shift_right_arithmetic3A_48 : vector<16xi32>
        %and3A = arith.constant 127 : i32
        %and3A_50 = vector.broadcast %and3A : i32 to vector<16xi32>
        %and3A_51 = arith.andi %get3A_47, %and3A_50 : vector<16xi32>
        tpu.vector_store_idx %arg5[%shift_right_arithmetic3A_49, %and3A_51], %broadcast_in_dim3A_2 {add = true} : memref<784x128xf32, #tpu.memory_space<vmem>>[vector<16xi32>, vector<16xi32>], vector<16xf32>,
      }
      %scan3A_43 = arith.constant 250 : i32
    }
    %scan3A_16 = arith.constant 25 : i32
    %barrier3A = arith.constant 0 : index
    tpu.barrier barrier_id(%barrier3A)
    %scan3A_17 = arith.constant 0 : i32
    %scan3A_18 = arith.constant 0 : i32
    %scan3A_19 = arith.constant 7 : i32
    %scan3A_20 = arith.addi %scan3A_18, %scan3A_19 : i32
    %scan3A_21 = arith.constant 1 : i32
    scf.for %scan3A_34 = %scan3A_18 to %scan3A_20 step %scan3A_21  : i32 {
      %mul3A_35 = arith.constant 112 : i32
      %mul3A_36 = arith.muli %scan3A_34, %mul3A_35 : i32
      "tpu.region"() ({
        %run_scoped3A = tpu.sem_alloc : memref<!tpu.dma_semaphore, #tpu.memory_space<semaphore_mem>>
        %dma_start3A = arith.constant 0 : i32
        %dma_start3A_37 = tpu.memref_slice %arg5[%mul3A_36, %dma_start3A] : memref<784x128xf32, #tpu.memory_space<vmem>> -> memref<112x128xf32, #tpu.memory_space<vmem>>
        %dma_start3A_38 = arith.constant 0 : i32
        %dma_start3A_39 = tpu.memref_slice %arg8[%scan3A_34, %dma_start3A_38] : memref<7x112xi32, #tpu.memory_space<vmem>> -> memref<1x112xi32, #tpu.memory_space<vmem>>
        %dma_start3A_40 = tpu.memref_squeeze %dma_start3A_39 : memref<1x112xi32, #tpu.memory_space<vmem>> -> memref<112xi32, #tpu.memory_space<vmem>>
        %dma_start3A_41 = arith.constant 0 : i32
        %dma_start3A_42 = arith.constant 0 : i32
        %dma_start3A_43 = tpu.memref_slice %arg9[%dma_start3A_41, %dma_start3A_42] : memref<784x128xf32, #tpu.memory_space<vmem_shared>> -> memref<784x128xf32, #tpu.memory_space<vmem_shared>>
        tpu.enqueue_indirect_dma source(%dma_start3A_37 : memref<112x128xf32, #tpu.memory_space<vmem>>) target(%dma_start3A_43 : memref<784x128xf32, #tpu.memory_space<vmem_shared>>) offsets(%dma_start3A_40 : memref<112xi32, #tpu.memory_space<vmem>>) semaphore(%run_scoped3A : memref<!tpu.dma_semaphore, #tpu.memory_space<semaphore_mem>>) {add = true}
        %dma_wait3A = arith.constant 0 : i32
        %dma_wait3A_44 = tpu.memref_slice %arg5[%mul3A_36, %dma_wait3A] : memref<784x128xf32, #tpu.memory_space<vmem>> -> memref<112x128xf32, #tpu.memory_space<vmem>>
        %dma_wait3A_45 = arith.constant 0 : i32
        %dma_wait3A_46 = tpu.memref_slice %arg8[%scan3A_34, %dma_wait3A_45] : memref<7x112xi32, #tpu.memory_space<vmem>> -> memref<1x112xi32, #tpu.memory_space<vmem>>
        %dma_wait3A_47 = tpu.memref_squeeze %dma_wait3A_46 : memref<1x112xi32, #tpu.memory_space<vmem>> -> memref<112xi32, #tpu.memory_space<vmem>>
        %dma_wait3A_48 = arith.constant 0 : i32
        %dma_wait3A_49 = arith.constant 0 : i32
        %dma_wait3A_50 = tpu.memref_slice %arg9[%dma_wait3A_48, %dma_wait3A_49] : memref<784x128xf32, #tpu.memory_space<vmem_shared>> -> memref<784x128xf32, #tpu.memory_space<vmem_shared>>
        tpu.wait_indirect_dma semaphore(%run_scoped3A : memref<!tpu.dma_semaphore, #tpu.memory_space<semaphore_mem>>) src(%dma_wait3A_44 : memref<112x128xf32, #tpu.memory_space<vmem>>) dst(%dma_wait3A_50 : memref<784x128xf32, #tpu.memory_space<vmem_shared>>)
        tpu.yield
      }) : () -> ()
    }
    %scan3A_22 = arith.constant 7 : i32
    %barrier3A_23 = arith.constant 0 : index
    tpu.barrier barrier_id(%barrier3A_23)
    "tpu.region"() ({
      %run_scoped3A = tpu.sem_alloc : memref<!tpu.dma_semaphore, #tpu.memory_space<semaphore_mem>>
      tpu.enqueue_dma source(%arg9 : memref<784x128xf32, #tpu.memory_space<vmem_shared>>) target(%arg5 : memref<784x128xf32, #tpu.memory_space<vmem>>) target_semaphore(%run_scoped3A : memref<!tpu.dma_semaphore, #tpu.memory_space<semaphore_mem>>)
      tpu.wait_dma2 semaphore(%run_scoped3A : memref<!tpu.dma_semaphore, #tpu.memory_space<semaphore_mem>>) src(%arg9 : memref<784x128xf32, #tpu.memory_space<vmem_shared>>) dst(%arg5 : memref<784x128xf32, #tpu.memory_space<vmem>>)
      tpu.yield
    }) : () -> ()
    %mul3A_24 = arith.constant 2 : i32
    %mul3A_25 = arith.muli %arg1, %mul3A_24 : i32
    %add3A = arith.addi %mul3A_25, %arg0 : i32
    %mul3A_26 = arith.constant 50000 : i32
    %mul3A_27 = arith.muli %add3A, %mul3A_26 : i32
    %scan3A_28 = arith.constant 0 : i32
    %scan3A_29 = arith.constant 0 : i32
    %scan3A_30 = arith.constant 25 : i32
    %scan3A_31 = arith.addi %scan3A_29, %scan3A_30 : i32
    %scan3A_32 = arith.constant 1 : i32
    scf.for %scan3A_34 = %scan3A_29 to %scan3A_31 step %scan3A_32  : i32 {
      %mul3A_35 = arith.constant 2000 : i32
      %mul3A_36 = arith.muli %scan3A_34, %mul3A_35 : i32
      %add3A_37 = arith.addi %mul3A_27, %mul3A_36 : i32
      "tpu.region"() ({
        %run_scoped3A = tpu.sem_alloc : memref<!tpu.dma_semaphore, #tpu.memory_space<semaphore_mem>>
        %dma_start3A = arith.constant 0 : i32
        %dma_start3A_44 = tpu.memref_slice %arg6[%dma_start3A] : memref<4000xi32, #tpu.memory_space<vmem>> -> memref<2000xi32, #tpu.memory_space<vmem>>
        %dma_start3A_45 = tpu.memref_slice %arg2[%add3A_37] : memref<1600000xi32, #tpu.memory_space<hbm>> -> memref<2000xi32, #tpu.memory_space<hbm>>
        %dma_start3A_46 = arith.constant 0 : i32
        %dma_start3A_47 = tpu.memref_slice %arg6[%dma_start3A_46] : memref<4000xi32, #tpu.memory_space<vmem>> -> memref<2000xi32, #tpu.memory_space<vmem>>
        %dma_start3A_48 = tpu.memref_slice %arg2[%add3A_37] : memref<1600000xi32, #tpu.memory_space<hbm>> -> memref<2000xi32, #tpu.memory_space<hbm>>
        tpu.enqueue_dma source(%dma_start3A_48 : memref<2000xi32, #tpu.memory_space<hbm>>) target(%dma_start3A_47 : memref<2000xi32, #tpu.memory_space<vmem>>) target_semaphore(%run_scoped3A : memref<!tpu.dma_semaphore, #tpu.memory_space<semaphore_mem>>)
        %dma_wait3A = arith.constant 0 : i32
        %dma_wait3A_49 = tpu.memref_slice %arg6[%dma_wait3A] : memref<4000xi32, #tpu.memory_space<vmem>> -> memref<2000xi32, #tpu.memory_space<vmem>>
        %dma_wait3A_50 = tpu.memref_slice %arg2[%add3A_37] : memref<1600000xi32, #tpu.memory_space<hbm>> -> memref<2000xi32, #tpu.memory_space<hbm>>
        %dma_wait3A_51 = arith.constant 0 : i32
        %dma_wait3A_52 = tpu.memref_slice %arg6[%dma_wait3A_51] : memref<4000xi32, #tpu.memory_space<vmem>> -> memref<2000xi32, #tpu.memory_space<vmem>>
        %dma_wait3A_53 = tpu.memref_slice %arg2[%add3A_37] : memref<1600000xi32, #tpu.memory_space<hbm>> -> memref<2000xi32, #tpu.memory_space<hbm>>
        tpu.wait_dma2 semaphore(%run_scoped3A : memref<!tpu.dma_semaphore, #tpu.memory_space<semaphore_mem>>) src(%dma_wait3A_53 : memref<2000xi32, #tpu.memory_space<hbm>>) dst(%dma_wait3A_52 : memref<2000xi32, #tpu.memory_space<vmem>>)
        tpu.yield
      }) : () -> ()
      %scan3A_38 = arith.constant 0 : i32
      %scan3A_39 = arith.constant 0 : i32
      %scan3A_40 = arith.constant 125 : i32
      %scan3A_41 = arith.addi %scan3A_39, %scan3A_40 : i32
      %scan3A_42 = arith.constant 1 : i32
      scf.for %scan3A_44 = %scan3A_39 to %scan3A_41 step %scan3A_42  : i32 {
        %mul3A_45 = arith.constant 16 : i32
        %mul3A_46 = arith.muli %scan3A_44, %mul3A_45 : i32
        %get3A = arith.index_cast %mul3A_46 : i32 to index
        %get3A_47 = tpu.vector_load %arg6[%get3A] {strides = array<i32>} : memref<4000xi32, #tpu.memory_space<vmem>>, vector<16xi32>,
        %shift_right_arithmetic3A = arith.constant 7 : i32
        %shift_right_arithmetic3A_48 = vector.broadcast %shift_right_arithmetic3A : i32 to vector<16xi32>
        %shift_right_arithmetic3A_49 = arith.shrsi %get3A_47, %shift_right_arithmetic3A_48 : vector<16xi32>
        %and3A = arith.constant 127 : i32
        %and3A_50 = vector.broadcast %and3A : i32 to vector<16xi32>
        %and3A_51 = arith.andi %get3A_47, %and3A_50 : vector<16xi32>
        %gather3A = tpu.vector_load_idx %arg5[%shift_right_arithmetic3A_49, %and3A_51] : memref<784x128xf32, #tpu.memory_space<vmem>>[vector<16xi32>, vector<16xi32>], vector<16xf32>,
        %swap3A = arith.index_cast %mul3A_46 : i32 to index
        %swap3A_52 = tpu.vector_load %arg7[%swap3A] {strides = array<i32>} : memref<2000xf32, #tpu.memory_space<vmem>>, vector<16xf32>,
        tpu.vector_store %arg7[%swap3A], %gather3A {strides = array<i32>} : memref<2000xf32, #tpu.memory_space<vmem>>, vector<16xf32>,
      }
      %scan3A_43 = arith.constant 125 : i32
      "tpu.region"() ({
        %run_scoped3A = tpu.sem_alloc : memref<!tpu.dma_semaphore, #tpu.memory_space<semaphore_mem>>
        %dma_start3A = tpu.memref_slice %arg4[%add3A_37] : memref<1600000xf32, #tpu.memory_space<hbm>> -> memref<2000xf32, #tpu.memory_space<hbm>>
        %dma_start3A_44 = tpu.memref_slice %arg4[%add3A_37] : memref<1600000xf32, #tpu.memory_space<hbm>> -> memref<2000xf32, #tpu.memory_space<hbm>>
        tpu.enqueue_dma source(%arg7 : memref<2000xf32, #tpu.memory_space<vmem>>) target(%dma_start3A_44 : memref<2000xf32, #tpu.memory_space<hbm>>) target_semaphore(%run_scoped3A : memref<!tpu.dma_semaphore, #tpu.memory_space<semaphore_mem>>)
        %dma_wait3A = tpu.memref_slice %arg4[%add3A_37] : memref<1600000xf32, #tpu.memory_space<hbm>> -> memref<2000xf32, #tpu.memory_space<hbm>>
        %dma_wait3A_45 = tpu.memref_slice %arg4[%add3A_37] : memref<1600000xf32, #tpu.memory_space<hbm>> -> memref<2000xf32, #tpu.memory_space<hbm>>
        tpu.wait_dma2 semaphore(%run_scoped3A : memref<!tpu.dma_semaphore, #tpu.memory_space<semaphore_mem>>) src(%arg7 : memref<2000xf32, #tpu.memory_space<vmem>>) dst(%dma_wait3A_45 : memref<2000xf32, #tpu.memory_space<hbm>>)
        tpu.yield
      }) : () -> ()
    }
    %scan3A_33 = arith.constant 25 : i32
    return
  }
}

module attributes {stable_mosaic.version = 14 : i64} {
  func.func @_mlp_body(%arg0: i32, %arg1: memref<9x32000xf32, #tpu.memory_space<vmem>>, %arg2: memref<48x9xf32, #tpu.memory_space<vmem>>, %arg3: memref<48x1xf32, #tpu.memory_space<vmem>>, %arg4: memref<24x48xf32, #tpu.memory_space<vmem>>, %arg5: memref<24x1xf32, #tpu.memory_space<vmem>>, %arg6: memref<9x24xf32, #tpu.memory_space<vmem>>, %arg7: memref<9x1xf32, #tpu.memory_space<vmem>>, %arg8: memref<3x32000xf32, #tpu.memory_space<vmem>>) attributes {dimension_semantics = [#tpu.dimension_semantics<arbitrary>], iteration_bounds = array<i64: 50>, scalar_prefetch = 0 : i64, scratch_operands = 0 : i64, tpu.core_type = #tpu.core_type<tc>, window_params = [{transform_indices = @transform_0, window_bounds = array<i64: 9, 32000>}, {pipeline_mode = #tpu.pipeline_mode<synchronous>, transform_indices = @transform_1, window_bounds = array<i64: 48, 9>}, {pipeline_mode = #tpu.pipeline_mode<synchronous>, transform_indices = @transform_2, window_bounds = array<i64: 48, 1>}, {pipeline_mode = #tpu.pipeline_mode<synchronous>, transform_indices = @transform_3, window_bounds = array<i64: 24, 48>}, {pipeline_mode = #tpu.pipeline_mode<synchronous>, transform_indices = @transform_4, window_bounds = array<i64: 24, 1>}, {pipeline_mode = #tpu.pipeline_mode<synchronous>, transform_indices = @transform_5, window_bounds = array<i64: 9, 24>}, {pipeline_mode = #tpu.pipeline_mode<synchronous>, transform_indices = @transform_6, window_bounds = array<i64: 9, 1>}, {transform_indices = @transform_7, window_bounds = array<i64: 3, 32000>}]} {
    %get3A = arith.constant 0 : index
    %get3A_0 = arith.constant 0 : index
    %get3A_1 = vector.load %arg2[%get3A, %get3A_0] : memref<48x9xf32, #tpu.memory_space<vmem>>, vector<48x9xf32>
    %get3A_2 = arith.constant 0 : index
    %get3A_3 = arith.constant 0 : index
    %get3A_4 = vector.load %arg1[%get3A_2, %get3A_3] : memref<9x32000xf32, #tpu.memory_space<vmem>>, vector<9x32000xf32>
    %dot_general3A = arith.constant dense<0.000000e+00> : vector<48x32000xf32>
    %dot_general3A_5 = tpu.matmul %get3A_1, %get3A_4, %dot_general3A {dimension_numbers = #tpu.dot_dimension_numbers<[1], [0], [0], [1], [0, 0, 1, 1], [], []>, transpose_lhs_hint = false} : vector<48x9xf32>, vector<9x32000xf32>, vector<48x32000xf32> -> vector<48x32000xf32>
    %get3A_6 = arith.constant 0 : index
    %get3A_7 = arith.constant 0 : index
    %get3A_8 = vector.load %arg3[%get3A_6, %get3A_7] : memref<48x1xf32, #tpu.memory_space<vmem>>, vector<48x1xf32>
    %add3A = vector.broadcast %get3A_8 : vector<48x1xf32> to vector<48x32000xf32>
    %add3A_9 = arith.addf %dot_general3A_5, %add3A : vector<48x32000xf32>
    %gt3A = arith.constant 0.000000e+00 : f32
    %gt3A_10 = vector.broadcast %gt3A : f32 to vector<48x32000xf32>
    %gt3A_11 = arith.cmpf ogt, %add3A_9, %gt3A_10 : vector<48x32000xf32>
    %exp3A = math.exp %add3A_9 : vector<48x32000xf32>
    %sub3A = arith.constant 1.000000e+00 : f32
    %sub3A_12 = vector.broadcast %sub3A : f32 to vector<48x32000xf32>
    %sub3A_13 = arith.subf %exp3A, %sub3A_12 : vector<48x32000xf32>
    %select_n3A = arith.select %gt3A_11, %add3A_9, %sub3A_13 : vector<48x32000xi1>, vector<48x32000xf32>
    %get3A_14 = arith.constant 0 : index
    %get3A_15 = arith.constant 0 : index
    %get3A_16 = vector.load %arg4[%get3A_14, %get3A_15] : memref<24x48xf32, #tpu.memory_space<vmem>>, vector<24x48xf32>
    %dot_general3A_17 = arith.constant dense<0.000000e+00> : vector<24x32000xf32>
    %dot_general3A_18 = tpu.matmul %get3A_16, %select_n3A, %dot_general3A_17 {dimension_numbers = #tpu.dot_dimension_numbers<[1], [0], [0], [1], [0, 0, 1, 1], [], []>, transpose_lhs_hint = false} : vector<24x48xf32>, vector<48x32000xf32>, vector<24x32000xf32> -> vector<24x32000xf32>
    %get3A_19 = arith.constant 0 : index
    %get3A_20 = arith.constant 0 : index
    %get3A_21 = vector.load %arg5[%get3A_19, %get3A_20] : memref<24x1xf32, #tpu.memory_space<vmem>>, vector<24x1xf32>
    %add3A_22 = vector.broadcast %get3A_21 : vector<24x1xf32> to vector<24x32000xf32>
    %add3A_23 = arith.addf %dot_general3A_18, %add3A_22 : vector<24x32000xf32>
    %gt3A_24 = arith.constant 0.000000e+00 : f32
    %gt3A_25 = vector.broadcast %gt3A_24 : f32 to vector<24x32000xf32>
    %gt3A_26 = arith.cmpf ogt, %add3A_23, %gt3A_25 : vector<24x32000xf32>
    %exp3A_27 = math.exp %add3A_23 : vector<24x32000xf32>
    %sub3A_28 = arith.constant 1.000000e+00 : f32
    %sub3A_29 = vector.broadcast %sub3A_28 : f32 to vector<24x32000xf32>
    %sub3A_30 = arith.subf %exp3A_27, %sub3A_29 : vector<24x32000xf32>
    %select_n3A_31 = arith.select %gt3A_26, %add3A_23, %sub3A_30 : vector<24x32000xi1>, vector<24x32000xf32>
    %get3A_32 = arith.constant 0 : index
    %get3A_33 = arith.constant 0 : index
    %get3A_34 = vector.load %arg6[%get3A_32, %get3A_33] : memref<9x24xf32, #tpu.memory_space<vmem>>, vector<9x24xf32>
    %dot_general3A_35 = arith.constant dense<0.000000e+00> : vector<9x32000xf32>
    %dot_general3A_36 = tpu.matmul %get3A_34, %select_n3A_31, %dot_general3A_35 {dimension_numbers = #tpu.dot_dimension_numbers<[1], [0], [0], [1], [0, 0, 1, 1], [], []>, transpose_lhs_hint = false} : vector<9x24xf32>, vector<24x32000xf32>, vector<9x32000xf32> -> vector<9x32000xf32>
    %get3A_37 = arith.constant 0 : index
    %get3A_38 = arith.constant 0 : index
    %get3A_39 = vector.load %arg7[%get3A_37, %get3A_38] : memref<9x1xf32, #tpu.memory_space<vmem>>, vector<9x1xf32>
    %add3A_40 = vector.broadcast %get3A_39 : vector<9x1xf32> to vector<9x32000xf32>
    %add3A_41 = arith.addf %dot_general3A_36, %add3A_40 : vector<9x32000xf32>
    %slice3A = vector.extract_strided_slice %add3A_41 {offsets = [0, 0], sizes = [3, 32000], strides = [1, 1]} : vector<9x32000xf32> to vector<3x32000xf32>
    %slice3A_42 = vector.extract_strided_slice %add3A_41 {offsets = [3, 0], sizes = [3, 32000], strides = [1, 1]} : vector<9x32000xf32> to vector<3x32000xf32>
    %add3A_43 = arith.addf %slice3A, %slice3A_42 : vector<3x32000xf32>
    %slice3A_44 = vector.extract_strided_slice %add3A_41 {offsets = [6, 0], sizes = [3, 32000], strides = [1, 1]} : vector<9x32000xf32> to vector<3x32000xf32>
    %add3A_45 = arith.addf %add3A_43, %slice3A_44 : vector<3x32000xf32>
    %swap3A = arith.constant 0 : index
    %swap3A_46 = arith.constant 0 : index
    %swap3A_47 = vector.load %arg8[%swap3A, %swap3A_46] : memref<3x32000xf32, #tpu.memory_space<vmem>>, vector<3x32000xf32>
    tpu.vector_store %arg8[%swap3A, %swap3A_46], %add3A_45 {strides = array<i32>} : memref<3x32000xf32, #tpu.memory_space<vmem>>, vector<3x32000xf32>,
    return
  }
  func.func @transform_0(%arg0: i32) -> (i32, i32) {
    %c0_i32 = arith.constant 0 : i32
    %c0_i32_0 = arith.constant 0 : i32
    return %c0_i32, %arg0 : i32, i32
  }
  func.func @transform_1(%arg0: i32) -> (i32, i32) {
    %c0_i32 = arith.constant 0 : i32
    %c0_i32_0 = arith.constant 0 : i32
    %c0_i32_1 = arith.constant 0 : i32
    return %c0_i32, %c0_i32_0 : i32, i32
  }
  func.func @transform_2(%arg0: i32) -> (i32, i32) {
    %c0_i32 = arith.constant 0 : i32
    %c0_i32_0 = arith.constant 0 : i32
    %c0_i32_1 = arith.constant 0 : i32
    return %c0_i32, %c0_i32_0 : i32, i32
  }
  func.func @transform_3(%arg0: i32) -> (i32, i32) {
    %c0_i32 = arith.constant 0 : i32
    %c0_i32_0 = arith.constant 0 : i32
    %c0_i32_1 = arith.constant 0 : i32
    return %c0_i32, %c0_i32_0 : i32, i32
  }
  func.func @transform_4(%arg0: i32) -> (i32, i32) {
    %c0_i32 = arith.constant 0 : i32
    %c0_i32_0 = arith.constant 0 : i32
    %c0_i32_1 = arith.constant 0 : i32
    return %c0_i32, %c0_i32_0 : i32, i32
  }
  func.func @transform_5(%arg0: i32) -> (i32, i32) {
    %c0_i32 = arith.constant 0 : i32
    %c0_i32_0 = arith.constant 0 : i32
    %c0_i32_1 = arith.constant 0 : i32
    return %c0_i32, %c0_i32_0 : i32, i32
  }
  func.func @transform_6(%arg0: i32) -> (i32, i32) {
    %c0_i32 = arith.constant 0 : i32
    %c0_i32_0 = arith.constant 0 : i32
    %c0_i32_1 = arith.constant 0 : i32
    return %c0_i32, %c0_i32_0 : i32, i32
  }
  func.func @transform_7(%arg0: i32) -> (i32, i32) {
    %c0_i32 = arith.constant 0 : i32
    %c0_i32_0 = arith.constant 0 : i32
    return %c0_i32, %arg0 : i32, i32
  }
}

module attributes {stable_mosaic.version = 14 : i64} {
  func.func @_reduce_body(%arg0: i32, %arg1: memref<3x64000xf32, #tpu.memory_space<vmem>>, %arg2: memref<1x1x64000xf32, #tpu.memory_space<vmem>>, %arg3: memref<3x5120xf32, #tpu.memory_space<vmem>>, %arg4: memref<16x3xf32, #tpu.memory_space<vmem>>, %arg5: memref<16x1xf32, #tpu.memory_space<vmem>>, %arg6: memref<8x16xf32, #tpu.memory_space<vmem>>, %arg7: memref<8x1xf32, #tpu.memory_space<vmem>>, %arg8: memref<4x8xf32, #tpu.memory_space<vmem>>, %arg9: memref<4x1xf32, #tpu.memory_space<vmem>>, %arg10: memref<2x4xf32, #tpu.memory_space<vmem>>, %arg11: memref<2x1xf32, #tpu.memory_space<vmem>>, %arg12: memref<2x1xf32, #tpu.memory_space<vmem>>, %arg13: memref<3x1xf32, #tpu.memory_space<vmem>>) attributes {dimension_semantics = [#tpu.dimension_semantics<arbitrary>], iteration_bounds = array<i64: 25>, scalar_prefetch = 0 : i64, scratch_operands = 1 : i64, tpu.core_type = #tpu.core_type<tc>, window_params = [{transform_indices = @transform_0, window_bounds = array<i64: 3, 64000>}, {transform_indices = @transform_1, window_bounds = array<i64: 1, 1, 64000>}, {transform_indices = @transform_2, window_bounds = array<i64: 3, 5120>}, {pipeline_mode = #tpu.pipeline_mode<synchronous>, transform_indices = @transform_3, window_bounds = array<i64: 16, 3>}, {pipeline_mode = #tpu.pipeline_mode<synchronous>, transform_indices = @transform_4, window_bounds = array<i64: 16, 1>}, {pipeline_mode = #tpu.pipeline_mode<synchronous>, transform_indices = @transform_5, window_bounds = array<i64: 8, 16>}, {pipeline_mode = #tpu.pipeline_mode<synchronous>, transform_indices = @transform_6, window_bounds = array<i64: 8, 1>}, {pipeline_mode = #tpu.pipeline_mode<synchronous>, transform_indices = @transform_7, window_bounds = array<i64: 4, 8>}, {pipeline_mode = #tpu.pipeline_mode<synchronous>, transform_indices = @transform_8, window_bounds = array<i64: 4, 1>}, {pipeline_mode = #tpu.pipeline_mode<synchronous>, transform_indices = @transform_9, window_bounds = array<i64: 2, 4>}, {pipeline_mode = #tpu.pipeline_mode<synchronous>, transform_indices = @transform_10, window_bounds = array<i64: 2, 1>}, {pipeline_mode = #tpu.pipeline_mode<synchronous>, transform_indices = @transform_11, window_bounds = array<i64: 2, 1>}]} {
    %eq3A = arith.constant 0 : i32
    %eq3A_0 = arith.cmpi eq, %arg0, %eq3A : i32
    %convert_element_type3A = arith.extui %eq3A_0 : i1 to i32
    %cond3A = arith.constant 0 : i32
    %cond3A_1 = arith.cmpi ne, %convert_element_type3A, %cond3A : i32
    scf.if %cond3A_1 {
      %broadcast_in_dim3A_31 = arith.constant 0.000000e+00 : f32
      %broadcast_in_dim3A_32 = vector.broadcast %broadcast_in_dim3A_31 : f32 to vector<3x1xf32>
      %swap3A_33 = arith.constant 0 : index
      %swap3A_34 = arith.constant 0 : index
      %swap3A_35 = vector.load %arg13[%swap3A_33, %swap3A_34] : memref<3x1xf32, #tpu.memory_space<vmem>>, vector<3x1xf32>
      tpu.vector_store %arg13[%swap3A_33, %swap3A_34], %broadcast_in_dim3A_32 {strides = array<i32>} : memref<3x1xf32, #tpu.memory_space<vmem>>, vector<3x1xf32>,
    } else {
    }
    %get3A = arith.constant 0 : index
    %get3A_2 = arith.constant 0 : index
    %get3A_3 = arith.constant 0 : index
    %get3A_4 = vector.load %arg2[%get3A, %get3A_2, %get3A_3] : memref<1x1x64000xf32, #tpu.memory_space<vmem>>, vector<1x1x64000xf32>
    %reshape3A = vector.shape_cast %get3A_4 : vector<1x1x64000xf32> to vector<1x64000xf32>
    %max3A = arith.constant 1.000000e+00 : f32
    %max3A_5 = vector.broadcast %max3A : f32 to vector<1x64000xf32>
    %max3A_6 = arith.maximumf %reshape3A, %max3A_5 : vector<1x64000xf32>
    %div3A = arith.constant 1.000000e+00 : f32
    %div3A_7 = vector.broadcast %div3A : f32 to vector<1x64000xf32>
    %div3A_8 = arith.divf %div3A_7, %max3A_6 : vector<1x64000xf32>
    %get3A_9 = arith.constant 0 : index
    %get3A_10 = arith.constant 0 : index
    %get3A_11 = vector.load %arg13[%get3A_9, %get3A_10] : memref<3x1xf32, #tpu.memory_space<vmem>>, vector<3x1xf32>
    %get3A_12 = arith.constant 0 : index
    %get3A_13 = arith.constant 0 : index
    %get3A_14 = vector.load %arg3[%get3A_12, %get3A_13] : memref<3x5120xf32, #tpu.memory_space<vmem>>, vector<3x5120xf32>
    %reduce_sum3A = arith.constant dense<0.000000e+00> : vector<3xf32>
    %reduce_sum3A_15 = vector.multi_reduction <add>, %get3A_14, %reduce_sum3A [1] : vector<3x5120xf32> to vector<3xf32>
    %broadcast_in_dim3A = vector.shape_cast %reduce_sum3A_15 : vector<3xf32> to vector<3x1xf32>
    %get3A_16 = arith.constant 0 : index
    %get3A_17 = arith.constant 0 : index
    %get3A_18 = vector.load %arg1[%get3A_16, %get3A_17] : memref<3x64000xf32, #tpu.memory_space<vmem>>, vector<3x64000xf32>
    %mul3A = vector.broadcast %div3A_8 : vector<1x64000xf32> to vector<3x64000xf32>
    %mul3A_19 = arith.mulf %get3A_18, %mul3A : vector<3x64000xf32>
    %reduce_sum3A_20 = arith.constant dense<0.000000e+00> : vector<3xf32>
    %reduce_sum3A_21 = vector.multi_reduction <add>, %mul3A_19, %reduce_sum3A_20 [1] : vector<3x64000xf32> to vector<3xf32>
    %broadcast_in_dim3A_22 = vector.shape_cast %reduce_sum3A_21 : vector<3xf32> to vector<3x1xf32>
    %add3A = arith.addf %broadcast_in_dim3A, %broadcast_in_dim3A_22 : vector<3x1xf32>
    %add3A_23 = arith.addf %get3A_11, %add3A : vector<3x1xf32>
    %swap3A = arith.constant 0 : index
    %swap3A_24 = arith.constant 0 : index
    %swap3A_25 = vector.load %arg13[%swap3A, %swap3A_24] : memref<3x1xf32, #tpu.memory_space<vmem>>, vector<3x1xf32>
    tpu.vector_store %arg13[%swap3A, %swap3A_24], %add3A_23 {strides = array<i32>} : memref<3x1xf32, #tpu.memory_space<vmem>>, vector<3x1xf32>,
    %eq3A_26 = arith.constant 24 : i32
    %eq3A_27 = arith.cmpi eq, %arg0, %eq3A_26 : i32
    %convert_element_type3A_28 = arith.extui %eq3A_27 : i1 to i32
    %cond3A_29 = arith.constant 0 : i32
    %cond3A_30 = arith.cmpi ne, %convert_element_type3A_28, %cond3A_29 : i32
    scf.if %cond3A_30 {
      %get3A_31 = arith.constant 0 : index
      %get3A_32 = arith.constant 0 : index
      %get3A_33 = vector.load %arg13[%get3A_31, %get3A_32] : memref<3x1xf32, #tpu.memory_space<vmem>>, vector<3x1xf32>
      %mul3A_34 = arith.constant 9.99999974E-6 : f32
      %mul3A_35 = vector.broadcast %mul3A_34 : f32 to vector<3x1xf32>
      %mul3A_36 = arith.mulf %get3A_33, %mul3A_35 : vector<3x1xf32>
      %get3A_37 = arith.constant 0 : index
      %get3A_38 = arith.constant 0 : index
      %get3A_39 = vector.load %arg4[%get3A_37, %get3A_38] : memref<16x3xf32, #tpu.memory_space<vmem>>, vector<16x3xf32>
      %dot_general3A = arith.constant dense<0.000000e+00> : vector<16x1xf32>
      %dot_general3A_40 = tpu.matmul %get3A_39, %mul3A_36, %dot_general3A {dimension_numbers = #tpu.dot_dimension_numbers<[1], [0], [0], [1], [0, 0, 1, 1], [], []>, transpose_lhs_hint = false} : vector<16x3xf32>, vector<3x1xf32>, vector<16x1xf32> -> vector<16x1xf32>
      %get3A_41 = arith.constant 0 : index
      %get3A_42 = arith.constant 0 : index
      %get3A_43 = vector.load %arg5[%get3A_41, %get3A_42] : memref<16x1xf32, #tpu.memory_space<vmem>>, vector<16x1xf32>
      %add3A_44 = arith.addf %dot_general3A_40, %get3A_43 : vector<16x1xf32>
      %gt3A = arith.constant 0.000000e+00 : f32
      %gt3A_45 = vector.broadcast %gt3A : f32 to vector<16x1xf32>
      %gt3A_46 = arith.cmpf ogt, %add3A_44, %gt3A_45 : vector<16x1xf32>
      %exp3A = math.exp %add3A_44 : vector<16x1xf32>
      %sub3A = arith.constant 1.000000e+00 : f32
      %sub3A_47 = vector.broadcast %sub3A : f32 to vector<16x1xf32>
      %sub3A_48 = arith.subf %exp3A, %sub3A_47 : vector<16x1xf32>
      %select_n3A = arith.select %gt3A_46, %add3A_44, %sub3A_48 : vector<16x1xi1>, vector<16x1xf32>
      %get3A_49 = arith.constant 0 : index
      %get3A_50 = arith.constant 0 : index
      %get3A_51 = vector.load %arg6[%get3A_49, %get3A_50] : memref<8x16xf32, #tpu.memory_space<vmem>>, vector<8x16xf32>
      %dot_general3A_52 = arith.constant dense<0.000000e+00> : vector<8x1xf32>
      %dot_general3A_53 = tpu.matmul %get3A_51, %select_n3A, %dot_general3A_52 {dimension_numbers = #tpu.dot_dimension_numbers<[1], [0], [0], [1], [0, 0, 1, 1], [], []>, transpose_lhs_hint = false} : vector<8x16xf32>, vector<16x1xf32>, vector<8x1xf32> -> vector<8x1xf32>
      %get3A_54 = arith.constant 0 : index
      %get3A_55 = arith.constant 0 : index
      %get3A_56 = vector.load %arg7[%get3A_54, %get3A_55] : memref<8x1xf32, #tpu.memory_space<vmem>>, vector<8x1xf32>
      %add3A_57 = arith.addf %dot_general3A_53, %get3A_56 : vector<8x1xf32>
      %gt3A_58 = arith.constant 0.000000e+00 : f32
      %gt3A_59 = vector.broadcast %gt3A_58 : f32 to vector<8x1xf32>
      %gt3A_60 = arith.cmpf ogt, %add3A_57, %gt3A_59 : vector<8x1xf32>
      %exp3A_61 = math.exp %add3A_57 : vector<8x1xf32>
      %sub3A_62 = arith.constant 1.000000e+00 : f32
      %sub3A_63 = vector.broadcast %sub3A_62 : f32 to vector<8x1xf32>
      %sub3A_64 = arith.subf %exp3A_61, %sub3A_63 : vector<8x1xf32>
      %select_n3A_65 = arith.select %gt3A_60, %add3A_57, %sub3A_64 : vector<8x1xi1>, vector<8x1xf32>
      %get3A_66 = arith.constant 0 : index
      %get3A_67 = arith.constant 0 : index
      %get3A_68 = vector.load %arg8[%get3A_66, %get3A_67] : memref<4x8xf32, #tpu.memory_space<vmem>>, vector<4x8xf32>
      %dot_general3A_69 = arith.constant dense<0.000000e+00> : vector<4x1xf32>
      %dot_general3A_70 = tpu.matmul %get3A_68, %select_n3A_65, %dot_general3A_69 {dimension_numbers = #tpu.dot_dimension_numbers<[1], [0], [0], [1], [0, 0, 1, 1], [], []>, transpose_lhs_hint = false} : vector<4x8xf32>, vector<8x1xf32>, vector<4x1xf32> -> vector<4x1xf32>
      %get3A_71 = arith.constant 0 : index
      %get3A_72 = arith.constant 0 : index
      %get3A_73 = vector.load %arg9[%get3A_71, %get3A_72] : memref<4x1xf32, #tpu.memory_space<vmem>>, vector<4x1xf32>
      %add3A_74 = arith.addf %dot_general3A_70, %get3A_73 : vector<4x1xf32>
      %gt3A_75 = arith.constant 0.000000e+00 : f32
      %gt3A_76 = vector.broadcast %gt3A_75 : f32 to vector<4x1xf32>
      %gt3A_77 = arith.cmpf ogt, %add3A_74, %gt3A_76 : vector<4x1xf32>
      %exp3A_78 = math.exp %add3A_74 : vector<4x1xf32>
      %sub3A_79 = arith.constant 1.000000e+00 : f32
      %sub3A_80 = vector.broadcast %sub3A_79 : f32 to vector<4x1xf32>
      %sub3A_81 = arith.subf %exp3A_78, %sub3A_80 : vector<4x1xf32>
      %select_n3A_82 = arith.select %gt3A_77, %add3A_74, %sub3A_81 : vector<4x1xi1>, vector<4x1xf32>
      %get3A_83 = arith.constant 0 : index
      %get3A_84 = arith.constant 0 : index
      %get3A_85 = vector.load %arg10[%get3A_83, %get3A_84] : memref<2x4xf32, #tpu.memory_space<vmem>>, vector<2x4xf32>
      %dot_general3A_86 = arith.constant dense<0.000000e+00> : vector<2x1xf32>
      %dot_general3A_87 = tpu.matmul %get3A_85, %select_n3A_82, %dot_general3A_86 {dimension_numbers = #tpu.dot_dimension_numbers<[1], [0], [0], [1], [0, 0, 1, 1], [], []>, transpose_lhs_hint = false} : vector<2x4xf32>, vector<4x1xf32>, vector<2x1xf32> -> vector<2x1xf32>
      %get3A_88 = arith.constant 0 : index
      %get3A_89 = arith.constant 0 : index
      %get3A_90 = vector.load %arg11[%get3A_88, %get3A_89] : memref<2x1xf32, #tpu.memory_space<vmem>>, vector<2x1xf32>
      %add3A_91 = arith.addf %dot_general3A_87, %get3A_90 : vector<2x1xf32>
      %swap3A_92 = arith.constant 0 : index
      %swap3A_93 = arith.constant 0 : index
      %swap3A_94 = vector.load %arg12[%swap3A_92, %swap3A_93] : memref<2x1xf32, #tpu.memory_space<vmem>>, vector<2x1xf32>
      tpu.vector_store %arg12[%swap3A_92, %swap3A_93], %add3A_91 {strides = array<i32>} : memref<2x1xf32, #tpu.memory_space<vmem>>, vector<2x1xf32>,
    } else {
    }
    return
  }
  func.func @transform_0(%arg0: i32) -> (i32, i32) {
    %c0_i32 = arith.constant 0 : i32
    %c0_i32_0 = arith.constant 0 : i32
    return %c0_i32, %arg0 : i32, i32
  }
  func.func @transform_1(%arg0: i32) -> (i32, i32, i32) {
    %c0_i32 = arith.constant 0 : i32
    %c0_i32_0 = arith.constant 0 : i32
    %c0_i32_1 = arith.constant 0 : i32
    return %arg0, %c0_i32, %c0_i32_0 : i32, i32, i32
  }
  func.func @transform_2(%arg0: i32) -> (i32, i32) {
    %c0_i32 = arith.constant 0 : i32
    %c0_i32_0 = arith.constant 0 : i32
    return %c0_i32, %arg0 : i32, i32
  }
  func.func @transform_3(%arg0: i32) -> (i32, i32) {
    %c0_i32 = arith.constant 0 : i32
    %c0_i32_0 = arith.constant 0 : i32
    %c0_i32_1 = arith.constant 0 : i32
    return %c0_i32, %c0_i32_0 : i32, i32
  }
  func.func @transform_4(%arg0: i32) -> (i32, i32) {
    %c0_i32 = arith.constant 0 : i32
    %c0_i32_0 = arith.constant 0 : i32
    %c0_i32_1 = arith.constant 0 : i32
    return %c0_i32, %c0_i32_0 : i32, i32
  }
  func.func @transform_5(%arg0: i32) -> (i32, i32) {
    %c0_i32 = arith.constant 0 : i32
    %c0_i32_0 = arith.constant 0 : i32
    %c0_i32_1 = arith.constant 0 : i32
    return %c0_i32, %c0_i32_0 : i32, i32
  }
  func.func @transform_6(%arg0: i32) -> (i32, i32) {
    %c0_i32 = arith.constant 0 : i32
    %c0_i32_0 = arith.constant 0 : i32
    %c0_i32_1 = arith.constant 0 : i32
    return %c0_i32, %c0_i32_0 : i32, i32
  }
  func.func @transform_7(%arg0: i32) -> (i32, i32) {
    %c0_i32 = arith.constant 0 : i32
    %c0_i32_0 = arith.constant 0 : i32
    %c0_i32_1 = arith.constant 0 : i32
    return %c0_i32, %c0_i32_0 : i32, i32
  }
  func.func @transform_8(%arg0: i32) -> (i32, i32) {
    %c0_i32 = arith.constant 0 : i32
    %c0_i32_0 = arith.constant 0 : i32
    %c0_i32_1 = arith.constant 0 : i32
    return %c0_i32, %c0_i32_0 : i32, i32
  }
  func.func @transform_9(%arg0: i32) -> (i32, i32) {
    %c0_i32 = arith.constant 0 : i32
    %c0_i32_0 = arith.constant 0 : i32
    %c0_i32_1 = arith.constant 0 : i32
    return %c0_i32, %c0_i32_0 : i32, i32
  }
  func.func @transform_10(%arg0: i32) -> (i32, i32) {
    %c0_i32 = arith.constant 0 : i32
    %c0_i32_0 = arith.constant 0 : i32
    %c0_i32_1 = arith.constant 0 : i32
    return %c0_i32, %c0_i32_0 : i32, i32
  }
  func.func @transform_11(%arg0: i32) -> (i32, i32) {
    %c0_i32 = arith.constant 0 : i32
    %c0_i32_0 = arith.constant 0 : i32
    %c0_i32_1 = arith.constant 0 : i32
    return %c0_i32, %c0_i32_0 : i32, i32
  }
}

</mosaic_0001>

<sc_bundles>
// kernel: kernel.5.cloned.1.call-start
scs
__scs_entry_jumppad:
0x0: {  	(pc) =	sbr.rel $0x88, $3  }
0x1: {  	(tag) =	ssettag $0x0;
	lr =	simm.s32 $0x1  }
0x2: {  	[smem:$0x3F84] =	sst lr;
	_ =	strace $0xD0000000  }
0x3: {  	_ = 	snop  }
0x4: {  	_ = 	snop  }
0x5: {  	_ = 	snop  }
0x6: {  	_ = 	snop  }
0x7: {  	_ = 	snop  }
__scs_overlays_trampoline_lowered:
0x8: {  	[smem:$0x3F93] =	sst s0  }
0x9: {  	[smem:$0x3F94] =	sst s1  }
0xa: {  	[smem:$0x3F95] =	sst s2  }
0xb: {  	[smem:$0x3F96] =	sst s3  }
0xc: {  	[smem:$0x3F97] =	sst s4  }
0xd: {  	[smem:$0x3F98] =	sst s5  }
0xe: {  	[smem:$0x3F99] =	sst s6  }
0xf: {  	[smem:$0x3F9A] =	sst s7  }
0x10: {  	[smem:$0x3F9B] =	sst s8  }
0x11: {  	[smem:$0x3F9C] =	sst s9;
	s0 =	simm.s32 @!p0 $0x0  }
0x12: {  	s1 =	sld [smem:$0x3F82];
	s0 =	simm.s32 @p0 $0x1  }
0x13: {  	[smem:$0x3F9D] =	sst s0;
	s0 =	simm.s32 @!p1 $0x0  }
0x14: {  	s2 =	sld [smem:$0x3F81];
	s0 =	simm.s32 @p1 $0x1  }
0x15: {  	[smem:$0x3F9E] =	sst s0;
	s0 =	simm.s32 @!p2 $0x0  }
0x16: {  	s3 =	sld [smem:$0x3FDB];
	s0 =	simm.s32 @p2 $0x1  }
0x17: {  	s4 =	simm.s32 $0x1BF5;
	[smem:$0x3FA0] =	sst s0  }
0x18: {  	s0 =	sld [smem:$0x3F83];
	_ =	swait.ge [sflag:s4], $0x0  }
0x19: {  	s7 =	sld [smem:$0x3F84]  }
0x1a: {  	s8 =	sadd.s32 $0xFFFFE003, lr  }
0x1b: {  	s9 =	sadd.s32 $0xFFFFFEF7, lr;
	s5 =	simm.s32 $0xFFFFFFFF;
	p2 =	slt.u32 s8, $0xFFFFF086  }
0x1c: {  	p1 =	slt.u32 s9, $0xF7A;
	s5 =	simm.s32 @!p2 $0x0  }
0x1d: {  	s5 =	simm.s32 @p1 $0x1;
	p0 =	seq.s32 s7, s2  }
0x1e: {  	s7 =	smul.u32 @!p0 $0xF7A, s2;
	p2 =	seq.s32 @!p0 s5, $0x0  }
0x1f: {  	s9 =	smul.u32 $0xF7A, s1;
	s8 =	simm.s32 @!p0 $0x1BF5;
	p2 =	por !p2, p0  }
0x20: {  	[sflag:s8] =	ssyncset.s32 @!p0 $0xFFFFF086;
	s6 =	sadd.s32 @!p0 s3, s7;
	s7 =	simm.s32 @!p0 $0x108  }
0x21: {  	s3 =	sadd.s32 s3, s9;
	s6 =	sadd.s32 @!p0 $0x88, s6;
	s7 =	simm.s32 @p2 $0x1082  }
0x22: {  	[simem:s7], [sflag:s8] =	dma.local @!p0 [hbm:s6], $0xF7A  }
0x23: {  	s9 =	sor.u32 $0xD0000000, s2;
	s6 =	simm.s32 $0x108;
	_ =	swait.ge @!p0 [sflag:s8], $0x0  }
0x24: {  	s3 =	sadd.s32 $0x88, s3;
	s6 =	simm.s32 @!p1 $0x1082;
	[sflag:s4] =	ssyncset.s32 $0xFFFFF086  }
0x25: {  	[simem:s6], [sflag:s4] =	dma.local [hbm:s3], $0xF7A  }
0x26: {  	[smem:$0x3F84] =	sst s1;
	(tag) =	ssettag s2;
	_ =	strace s9  }
0x27: {  	s1 =	sld [smem:$0x3F94]  }
0x28: {  	s2 =	sld [smem:$0x3F95]  }
0x29: {  	s4 =	sld [smem:$0x3F97]  }
0x2a: {  	p0 =	seq.s32 s5, $0x0;
	s5 =	sld [smem:$0x3F98]  }
0x2b: {  	s6 =	sld [smem:$0x3F99]  }
0x2c: {  	s7 =	sld [smem:$0x3F9A]  }
0x2d: {  	s3 =	simm.s32 $0x108;
	s8 =	sld [smem:$0x3F9B]  }
0x2e: {  	s3 =	simm.s32 @!p0 $0x1082;
	s9 =	sld [smem:$0x3F9C]  }
0x2f: {  	lr =	sadd.s32 s0, s3;
	s0 =	sld [smem:$0x3F93]  }
0x30: {  	s3 =	sld [smem:$0x3F96]  }
0x31: {  	[smem:$0x3F9F] =	sst s10  }
0x32: {  	s10 =	sld [smem:$0x3F9D];
	_ =	sdelay $0x3  }
0x33: {  	p0 =	seq.s32 s10, $0x1;
	s10 =	sld [smem:$0x3F9F];
	_ =	sdelay $0x3  }
0x34: {  	[smem:$0x3F9F] =	sst s10  }
0x35: {  	s10 =	sld [smem:$0x3F9E];
	_ =	sdelay $0x3  }
0x36: {  	p1 =	seq.s32 s10, $0x1;
	s10 =	sld [smem:$0x3F9F];
	_ =	sdelay $0x3  }
0x37: {  	[smem:$0x3F9F] =	sst s10  }
0x38: {  	s10 =	sld [smem:$0x3FA0]  }
0x39: {  	_ = 	snop;
	(pc) =	sbr.ind lr, $3  }
0x3a: {  	_ = 	snop  }
0x3b: {  	_ = 	snop  }
0x3c: {  	p2 =	seq.s32 s10, $0x1;
	s10 =	sld [smem:$0x3F9F]  }
0x3d: {  	_ =	shalt  }
0x3e: {  	_ =	shalt  }
0x3f: {  	_ =	shalt  }
0x40: {  	_ =	shalt  }
0x41: {  	_ =	shalt  }
0x42: {  	_ =	shalt  }
0x43: {  	_ =	shalt  }
0x44: {  	_ =	shalt  }
0x45: {  	_ =	shalt  }
0x46: {  	_ =	shalt  }
0x47: {  	_ =	shalt  }
0x48: {  	_ =	shalt  }
0x49: {  	_ =	shalt  }
0x4a: {  	_ =	shalt  }
0x4b: {  	_ =	shalt  }
0x4c: {  	_ =	shalt  }
0x4d: {  	_ =	shalt  }
0x4e: {  	_ =	shalt  }
0x4f: {  	_ =	shalt  }
0x50: {  	_ =	shalt  }
0x51: {  	_ =	shalt  }
0x52: {  	_ =	shalt  }
0x53: {  	_ =	shalt  }
0x54: {  	_ =	shalt  }
0x55: {  	_ =	shalt  }
0x56: {  	_ =	shalt  }
0x57: {  	_ =	shalt  }
0x58: {  	_ =	shalt  }
0x59: {  	_ =	shalt  }
0x5a: {  	_ =	shalt  }
0x5b: {  	_ =	shalt  }
0x5c: {  	_ =	shalt  }
0x5d: {  	_ =	shalt  }
0x5e: {  	_ =	shalt  }
0x5f: {  	_ =	shalt  }
0x60: {  	_ =	shalt  }
0x61: {  	_ =	shalt  }
0x62: {  	_ =	shalt  }
0x63: {  	_ =	shalt  }
0x64: {  	_ =	shalt  }
0x65: {  	_ =	shalt  }
0x66: {  	_ =	shalt  }
0x67: {  	_ =	shalt  }
0x68: {  	_ =	shalt  }
0x69: {  	_ =	shalt  }
0x6a: {  	_ =	shalt  }
0x6b: {  	_ =	shalt  }
0x6c: {  	_ =	shalt  }
0x6d: {  	_ =	shalt  }
0x6e: {  	_ =	shalt  }
0x6f: {  	_ =	shalt  }
0x70: {  	_ =	shalt  }
0x71: {  	_ =	shalt  }
0x72: {  	_ =	shalt  }
0x73: {  	_ =	shalt  }
0x74: {  	_ =	shalt  }
0x75: {  	_ =	shalt  }
0x76: {  	_ =	shalt  }
0x77: {  	_ =	shalt  }
0x78: {  	_ =	shalt  }
0x79: {  	_ =	shalt  }
0x7a: {  	_ =	shalt  }
0x7b: {  	_ =	shalt  }
0x7c: {  	_ =	shalt  }
0x7d: {  	_ =	shalt  }
0x7e: {  	_ =	shalt  }
0x7f: {  	_ =	shalt  }
0x80: {  	_ =	shalt  }
0x81: {  	_ =	shalt  }
0x82: {  	_ =	shalt  }
0x83: {  	_ =	shalt  }
0x84: {  	_ =	shalt  }
0x85: {  	_ =	shalt  }
0x86: {  	_ =	shalt  }
0x87: {  	_ =	shalt  }
.Lfunc_end0:
.L_simem_size_0:
called_computation_lowered:
.L_overlay_start_0:
0x88: {  	s2 =	sld [smem:$0x3FD9]  }
0x89: {  	s3 =	sld [smem:$0x3FFE];
	_ =	sdelay $0x1  }
0x8a: {  	s1 =	srdreg.scid  }
0x8b: {  	s0 =	sand.u32 $0x1, s1  }
0x8c: {  	s16 =	sshll.u32 s0, $0xA;
	s2 =	sadd.s32 s3, s2  }
0x8d: {  	s2 =	sadd.s32 s2, s16  }
0x8e: {  	[smem:$0x3FAB] =	sst s2  }
0x8f: {  	_ = 	snop  }
0x90: {  	(tm) =	ssettm $0x1  }
0x91: {  	s17 =	sld [smem:$0x3FFB];
	_ =	sdelay $0x3  }
0x92: {  	_ =	strace s17  }
0x93: {  	s2 =	sld [smem:$0x3FFC];
	_ =	sdelay $0x3  }
0x94: {  	_ =	strace s2  }
0x95: {  	s2 =	sld [smem:$0x3FFD];
	_ =	sdelay $0x3  }
0x96: {  	_ =	strace s2  }
0x97: {  	_ =	strace $0x8FFFFFFF  }
0x98: {  	s18 =	sld [smem:$0x3FDB];
	_ =	sdelay $0x1  }
0x99: {  	s19 =	simm.s32 $_scs_section_size  }
0x9a: {  	s4 =	simm.s32 $_size__tile_overlayer_lowered;
	s5 =	simm.s32 $_tile_overlayer_lowered  }
0x9b: {  	s22 =	simm.s32 $0x1BFF;
	s21 =	sshll.u32 s5, $0x1;
	s2 =	sadd.s32 s19, s18  }
0x9c: {  	s6 =	simm.s32 $0x0;
	s20 =	sshll.u32 s4, $0x1;
	s4 =	sadd.s32 s21, s2  }
0x9d: {  	[timem:s6], [sflag:s22] =	dma.local [hbm:s4], s20  }
0x9e: {  	_ =	swait.ge [sflag:s22], s20  }
0x9f: {  	s3 =	ssub.s32 $0x0, s20;
	[sflag:s22] =	ssyncset.done $0x0  }
0xa0: {  	[sflag:s22] =	ssyncadd.s32 s3;
	_ =	sdelay $0x1  }
0xa1: {  	s23 =	simm.s32 $0x1B8B  }
0xa2: {  	_ =	swait.ge [sflag:s23], $0x1  }
0xa3: {  	[sflag:s23] =	ssyncset.done $0x0  }
0xa4: {  	s25 =	simm.s32 $0x1B8E;
	s24 =	sld [smem:$0x3FFE];
	[sflag:s23] =	ssyncadd.s32 $0xFFFFFFFF  }
0xa5: {  	s26 =	simm.s32 $execute0_lowered;
	[smem:$0x3FD2] =	sst s25  }
0xa6: {  	s4 =	sshll.u32 s26, $0x1;
	_ =	strace $0x80000046;
	[dreg:$0x1] =	wrdreg $0xFFFFFFFF  }
0xa7: {  	s28 =	simm.s32 $_size_execute0_lowered;
	s2 =	sadd.s32 s2, s4;
	[dreg:$0x0] =	wrdreg $0x0  }
0xa8: {  	s4 =	sshll.u32 s28, $0x1;
	[dreg:$0x2] =	wrdreg s2  }
0xa9: {  	[dreg:$0x3] =	wrdreg s4  }
0xaa: {  	[dreg:$0x4] =	wrdreg $0xC0  }
0xab: {  	_ =	task [dreg:s6], $0x5FFFF  }
0xac: {  	[dreg:$0x1] =	wrdreg $0xFFFFFFFF  }
0xad: {  	[dreg:$0x0] =	wrdreg $0x60  }
0xae: {  	[dreg:$0x2] =	wrdreg s24  }
0xaf: {  	[dreg:$0x3] =	wrdreg $0x1A4000  }
0xb0: {  	[dreg:$0x4] =	wrdreg $0x9  }
0xb1: {  	_ =	task.clear_ibuf [dreg:s6], $0x5FFFF;
	_ =	strace $0x90000046  }
0xb2: {  	s29 =	simm.s32 $0x9;
	_ =	strace $0x80000048  }
0xb3: {  	_ =	swait.ge [sflag:s29], $0x1  }
0xb4: {  	[sflag:s29] =	ssyncadd.s32 $0xFFFFFFFF  }
0xb5: {  	_ =	strace $0x90000048  }
0xb6: {  	_ =	sfence  }
0xb7: {  	s30 =	sld [smem:$0x0];
	_ =	sdelay $0x2  }
0xb8: {  	s31 =	sshll.u32 s1, $0xD;
	s1 =	sshrl.u32 s1, $0x2  }
0xb9: {  	s3 =	sand.u32 $0x4000, s31;
	s1 =	sadd.s32 s1, s30  }
0xba: {  	s0 =	sor.u32 s3, s0;
	s1 =	sshll.u32 s1, $0x11  }
0xbb: {  	s0 =	sor.u32 s1, s0  }
0xbc: {  	s0 =	sadd.s32 $0x8F2B, s0  }
0xbd: {  	[sflag:s0] =	ssyncadd.remote.s32 $0x1  }
0xbe: {  	_ =	sfence.sel $0xFFFF  }
0xbf: {  	[dreg:$0x0] =	wrdreg $0xFFFFFFFF;
	(pc) =	sbr.abs _section_cstart, $3  }
0xc0: {  	[dreg:$0x1] =	wrdreg $0xFFFFFFFF  }
0xc1: {  	_ =	task.clear_ibuf [dreg:s6], $0x2FFFF;
	_ =	strace $0x9FFFFFFF  }
0xc2: {  	(tm) =	ssettm $0x7FFFFFFF  }
0xc3: {  	_ =	shalt  }
tec
execute0_lowered:
.L_overlay_start_1:
0x0: {  	(tag) =	ssettag $0x1  }
0x1: {  	s0 =	rddreg [dreg:$0x0]  }
0x2: {  	s1 =	rddreg [dreg:$0x1];
	s2 =	simm.s32 $0x0;
	s4 =	srdreg.scid  }
0x3: {  	s11 =	stileid.u32;
	s9 =	simm.s32 $0x1A000;
	s10 =	simm.s32 $0x1  }
0x4: {  	s12 =	simm.s32 $0x70;
	s14 =	simm.s32 $0x3800;
	s15 =	simm.s32 $0x1A100  }
0x5: {  	s16 =	simm.s32 $0x7000;
	s17 =	simm.s32 $0x1A180;
	s18 =	simm.s32 $0xA800  }
0x6: {  	s19 =	simm.s32 $0x1A200;
	s20 =	simm.s32 $0xE000;
	s21 =	simm.s32 $0x1A280  }
0x7: {  	s22 =	simm.s32 $0x11800;
	s23 =	simm.s32 $0x1A300;
	s24 =	simm.s32 $0x15000  }
0x8: {  	s25 =	simm.s32 $0x19800;
	s26 =	simm.s32 $0x0;
	[smem:$0x7FF] =	sst s2  }
0x9: {  	s3 =	sadd.s32 $0x3200, s0;
	s7 =	sand.u32 $0x1, s4;
	s4 =	sadd.s32 $0x3000, s0  }
0xa: {  	s5 =	sadd.s32 $0x34000, s0;
	s8 =	sshll.u32 s11, $0x1;
	s6 =	ssub.s32 $0x2, s7  }
0xb: {  	p0 =	sne.s32 s11, $0x0;
	s7 =	sor.u32 s7, s8;
	s31 =	sshrl.u32 s6, $0x1  }
0xc: {  	_ =	strace $0x80000047;
	s7 =	smul.u32 $0xC350, s7;
	s0 =	ssub.s32 s6, s31  }
0xd: {  	v0 =	vimm.f32 $0.0e+00;
	v1 =	vimm.f32 $1.000000000e+00;
	s6 =	smul.u32 $0x186A0, s11;
	s11 =	simm.s32 $0x18800;
	s8 =	smax.u32 s0, $0x1  }
.LBB2_1:
0xe: {  	[tilespmem:s9], [sflag:$0x1] =	stream.linear.gather [hbm4b:s4+s2], $0x380, $0x38;
	[tilespmem:$0x1BC80] =	vst v63  }
0xf: {  	_ =	swait.ge [sflag:s10], $0x380  }
0x10: {  	[sflag:s10] =	ssyncset.done $0x0  }
0x11: {  	s28 =	simm.s32 $0x70;
	s29 =	simm.s32 $0x3C0;
	[sflag:s10] =	ssyncadd.s32 $0xFFFFFC80  }
.LBB2_2:
0x12: {  	p1 =	sne.s32 s29, $0x61FC0;
	[tilespmem:s28+$0x0] =	vst v0  }
0x13: {  	[tilespmem:s28+$0xFFFFFF90] =	vst v0  }
0x14: {  	[tilespmem:s28+$0xFFFFFFA0] =	vst v0  }
.Ltmp0:
0x15: {  	[tilespmem:s28+$0xFFFFFFB0] =	vst v0;
	(pc) =	sbr.rel @p1 .LBB2_2-.Ltmp0, $4  }
0x16: {  	[tilespmem:s28+$0xFFFFFFC0] =	vst v0  }
0x17: {  	[tilespmem:s28+$0xFFFFFFD0] =	vst v0  }
0x18: {  	[tilespmem:s28+$0xFFFFFFE0] =	vst v0  }
0x19: {  	[tilespmem:s28+$0xFFFFFFF0] =	vst v0;
	s28 =	sshra.s32 s29, $0x2;
	s29 =	sadd.s32 $0x200, s29  }
0x1a: {  	[tilespmem:s28+$0x0] =	vst v0  }
0x1b: {  	[tilespmem:s28+$0xFFFFFF90] =	vst v0  }
0x1c: {  	[tilespmem:s28+$0xFFFFFFA0] =	vst v0  }
0x1d: {  	[tilespmem:s28+$0xFFFFFFB0] =	vst v0  }
0x1e: {  	[tilespmem:s28+$0xFFFFFFC0] =	vst v0  }
0x1f: {  	[tilespmem:s28+$0xFFFFFFD0] =	vst v0  }
0x20: {  	[tilespmem:s28+$0xFFFFFFE0] =	vst v0  }
0x21: {  	[tilespmem:s28+$0xFFFFFFF0] =	vst v0;
	s0 =	simm.s32 @!p0 $0x0  }
0x22: {  	[spmem:s1] =	stream.linear.scatter @!p0 [tilespmem:s0], [sflag:$0x1], $0x18800, $0x38;
	[tilespmem:$0x1BC80] =	vst v63  }
0x23: {  	s0 =	simm.s32 @!p0 $0x1  }
0x24: {  	_ =	swait.ge @!p0 [sflag:s0], $0x18800  }
0x25: {  	[sflag:s0] =	ssyncset.done @!p0 $0x0  }
0x26: {  	s28 =	simm.s32 $0x0;
	s29 =	simm.s32 $0x0;
	[sflag:s0] =	ssyncadd.s32 @!p0 $0xFFFE7800  }
.LBB2_4:
0x27: {  	s0 =	smul.u32 $0xFA0, s29;
	_ =	sdelay $0x1  }
0x28: {  	s0 =	sadd.s32 s6, s0  }
0x29: {  	s0 =	sshrl.u32 s0, $0x3  }
0x2a: {  	s0 =	sadd.s32 s3, s0  }
0x2b: {  	[tilespmem:s11], [sflag:$0x1] =	stream.linear.gather [hbm4b:s0+s28], $0xFA0, $0x38;
	[tilespmem:$0x1BC80] =	vst v63  }
0x2c: {  	_ =	swait.ge [sflag:s10], $0xFA0  }
0x2d: {  	[sflag:s10] =	ssyncset.done $0x0  }
0x2e: {  	s13 =	simm.s32 $0x0;
	s0 =	simm.s32 $0x40;
	[sflag:s10] =	ssyncadd.s32 $0xFFFFF060  }
.LBB2_5:
0x2f: {  	p1 =	sne.s32 s0, $0x3E40;
	v2 =	vld [tilespmem:s13+$0x18800];
	_ =	sdelay $0x3  }
.Ltmp1:
0x30: {  	(pc) =	sbr.rel @p1 .LBB2_5-.Ltmp1, $2  }
0x31: {  	_ =	sdelay $0x2  }
0x32: {  	s13 =	sshra.s32 s0, $0x2;
	s0 =	sadd.s32 $0x40, s0;
	[tilespmem:v2+s2+$0x0] =	vst.idx.add.f32.msk $0xffff, v1  }
0x33: {  	v2 =	vld [tilespmem:s13+$0x18800];
	_ =	sdelay $0x1  }
0x34: {  	s29 =	sadd.s32 $0x1, s29  }
0x35: {  	p1 =	sne.s32 s29, $0x19  }
.Ltmp2:
0x36: {  	_ = 	snop;
	(pc) =	sbr.rel @p1 .LBB2_4-.Ltmp2, $2  }
0x37: {  	_ =	sdelay $0x2  }
0x38: {  	[tilespmem:v2+s2+$0x0] =	vst.idx.add.f32.msk $0xffff, v1  }
0x39: {  	[bflag:$0x0] =	sbarrier.arrive $0xFFFF;
	s28 =	simm.s32 $0x0  }
0x3a: {  	[spmem:s1] =	stream.indirect.scatter.add.f32 [tilespmem:s28], [sflag:$0x1], $0x80, s9, s12, $0xb8;
	[tilespmem:$0x1BC80] =	vst v63  }
0x3b: {  	_ =	swait.ge [sflag:s10], $0x3800  }
0x3c: {  	[sflag:s10] =	ssyncset.done $0x0  }
0x3d: {  	s0 =	simm.s32 $0x1A080;
	[sflag:s10] =	ssyncadd.s32 $0xFFFFC800  }
0x3e: {  	[spmem:s1] =	stream.indirect.scatter.add.f32 [tilespmem:s14], [sflag:$0x1], $0x80, s0, s12, $0xb8;
	[tilespmem:$0x1BC80] =	vst v63  }
0x3f: {  	_ =	swait.ge [sflag:s10], $0x3800  }
0x40: {  	[sflag:s10] =	ssyncset.done $0x0  }
0x41: {  	[sflag:s10] =	ssyncadd.s32 $0xFFFFC800  }
0x42: {  	[spmem:s1] =	stream.indirect.scatter.add.f32 [tilespmem:s16], [sflag:$0x1], $0x80, s15, s12, $0xb8;
	[tilespmem:$0x1BC80] =	vst v63  }
0x43: {  	_ =	swait.ge [sflag:s10], $0x3800  }
0x44: {  	[sflag:s10] =	ssyncset.done $0x0  }
0x45: {  	[sflag:s10] =	ssyncadd.s32 $0xFFFFC800  }
0x46: {  	[spmem:s1] =	stream.indirect.scatter.add.f32 [tilespmem:s18], [sflag:$0x1], $0x80, s17, s12, $0xb8;
	[tilespmem:$0x1BC80] =	vst v63  }
0x47: {  	_ =	swait.ge [sflag:s10], $0x3800  }
0x48: {  	[sflag:s10] =	ssyncset.done $0x0  }
0x49: {  	[sflag:s10] =	ssyncadd.s32 $0xFFFFC800  }
0x4a: {  	[spmem:s1] =	stream.indirect.scatter.add.f32 [tilespmem:s20], [sflag:$0x1], $0x80, s19, s12, $0xb8;
	[tilespmem:$0x1BC80] =	vst v63  }
0x4b: {  	_ =	swait.ge [sflag:s10], $0x3800  }
0x4c: {  	[sflag:s10] =	ssyncset.done $0x0  }
0x4d: {  	[sflag:s10] =	ssyncadd.s32 $0xFFFFC800  }
0x4e: {  	[spmem:s1] =	stream.indirect.scatter.add.f32 [tilespmem:s22], [sflag:$0x1], $0x80, s21, s12, $0xb8;
	[tilespmem:$0x1BC80] =	vst v63  }
0x4f: {  	_ =	swait.ge [sflag:s10], $0x3800  }
0x50: {  	[sflag:s10] =	ssyncset.done $0x0  }
0x51: {  	[sflag:s10] =	ssyncadd.s32 $0xFFFFC800  }
0x52: {  	[spmem:s1] =	stream.indirect.scatter.add.f32 [tilespmem:s24], [sflag:$0x1], $0x80, s23, s12, $0xb8;
	[tilespmem:$0x1BC80] =	vst v63  }
0x53: {  	_ =	swait.ge [sflag:s10], $0x3800  }
0x54: {  	[sflag:s10] =	ssyncset.done $0x0  }
0x55: {  	[sflag:s10] =	ssyncadd.s32 $0xFFFFC800  }
0x56: {  	[bflag:$0x0] =	sbarrier.arrive $0xFFFF  }
0x57: {  	[tilespmem:s28], [sflag:$0x1] =	stream.linear.gather [spmem:s1], $0x18800, $0x38;
	[tilespmem:$0x1BC80] =	vst v63  }
0x58: {  	_ =	swait.ge [sflag:s10], $0x18800  }
0x59: {  	[sflag:s10] =	ssyncset.done $0x0  }
0x5a: {  	s29 =	simm.s32 $0x0;
	[sflag:s10] =	ssyncadd.s32 $0xFFFE7800  }
.LBB2_8:
0x5b: {  	s0 =	smul.u32 $0x7D0, s29;
	_ =	sdelay $0x1  }
0x5c: {  	s0 =	sadd.s32 s7, s0  }
0x5d: {  	s30 =	sshrl.u32 s0, $0x3  }
0x5e: {  	s0 =	sadd.s32 s3, s30  }
0x5f: {  	[tilespmem:s11], [sflag:$0x1] =	stream.linear.gather [hbm4b:s0+s28], $0x7D0, $0x38;
	[tilespmem:$0x1BC80] =	vst v63  }
0x60: {  	_ =	swait.ge [sflag:s10], $0x7D0  }
0x61: {  	[sflag:s10] =	ssyncset.done $0x0  }
0x62: {  	s31 =	simm.s32 $0x0;
	[sflag:s10] =	ssyncadd.s32 $0xFFFFF830  }
0x63: {  	v2 =	vld [tilespmem:s31+$0x18800];
	_ =	sdelay $0x7  }
0x64: {  	s13 =	simm.s32 $0x80;
	s0 =	simm.s32 $0x10;
	v2 =	vld.idx.msk [tilespmem:v2+s2+$0x0], $0xffff  }
.LBB2_9:
0x65: {  	p1 =	sne.s32 s13, $0x1F00;
	v3 =	vld [tilespmem:s0+$0x18800];
	_ =	sdelay $0x3  }
.Ltmp3:
0x66: {  	(pc) =	sbr.rel @p1 .LBB2_9-.Ltmp3, $2  }
0x67: {  	[tilespmem:s31+$0x19800] =	vst v2;
	s31 =	smov.u32 s0;
	_ =	sdelay $0x2  }
0x68: {  	s0 =	sshra.s32 s13, $0x2;
	s13 =	sadd.s32 $0x40, s13;
	v2 =	vld.idx.msk [tilespmem:v3+s2+$0x0], $0xffff  }
0x69: {  	v3 =	vld [tilespmem:s0+$0x18800];
	_ =	sdelay $0x6  }
0x6a: {  	[tilespmem:s31+$0x19800] =	vst v2  }
0x6b: {  	v2 =	vld.idx.msk [tilespmem:v3+s2+$0x0], $0xffff;
	_ =	sdelay $0x2  }
0x6c: {  	s29 =	sadd.s32 $0x1, s29  }
0x6d: {  	p1 =	sne.s32 s29, $0x19  }
.Ltmp4:
0x6e: {  	s31 =	sadd.s32 s5, s30;
	[tilespmem:s0+$0x19800] =	vst v2;
	(pc) =	sbr.rel @p1 .LBB2_8-.Ltmp4, $4  }
0x6f: {  	[hbm4b:s31+s2] =	stream.linear.scatter [tilespmem:s25], [sflag:$0x1], $0x7D0, $0x38;
	[tilespmem:$0x1BC80] =	vst v63  }
0x70: {  	_ =	swait.ge [sflag:s10], $0x7D0  }
0x71: {  	[sflag:s10] =	ssyncset.done $0x0  }
0x72: {  	[sflag:s10] =	ssyncadd.s32 $0xFFFFF830  }
0x73: {  	s26 =	sadd.s32 $0x1, s26  }
0x74: {  	p1 =	sne.s32 s26, s8  }
.Ltmp5:
0x75: {  	_ = 	snop;
	(pc) =	sbr.rel @p1 .LBB2_1-.Ltmp5, $1  }
0x76: {  	_ =	sdelay $0x3  }
0x77: {  	_ =	sfence.sel $0x180000  }
0x78: {  	[bflag:$0x0] =	sbarrier.arrive $0xFFFF  }
0x79: {  	_ =	strace $0x90000047  }
0x7a: {  	[bflag:$0x2] =	sbarrier.arrive $0xFFFF  }
0x7b: {  	s0 =	rddreg [dreg:$0x2]  }
0x7c: {  	s0 =	sadd.s32 @!p0 $0x100000, s0  }
0x7d: {  	[sflag:s0] =	ssyncadd.tile.s32 @!p0 $0x1;
	_ =	shalt  }
.Lfunc_end2:
_tile_overlayer_lowered:
.L_overlay_start_2:
0x7e: {  	(tag) =	ssettag $0x2  }
0x7f: {  	s0 =	rddreg [dreg:$0x0];
	s2 =	stileid.u32  }
0x80: {  	s1 =	rddreg [dreg:$0x1];
	p0 =	sne.s32 s2, $0x0  }
0x81: {  	s3 =	rddreg [dreg:$0x2];
	[bflag:$0x3] =	sbarrier.arrive $0xFFFF;
	s2 =	simm.s32 @!p0 $0x1C01  }
0x82: {  	[timem:s3], [sflag:s2] =	dma.local @!p0 [hbm:s0], s1  }
0x83: {  	s0 =	simm.s32 @!p0 $0x1  }
0x84: {  	_ =	swait.ge @!p0 [sflag:s0], s1  }
0x85: {  	s1 =	ssub.s32 @!p0 $0x0, s1;
	[sflag:s0] =	ssyncset.done @!p0 $0x0  }
0x86: {  	[sflag:s0] =	ssyncadd.s32 @!p0 s1  }
0x87: {  	[bflag:$0x3] =	sbarrier.arrive $0xFFFF  }
0x88: {  	_ =	shalt  }

</sc_bundles>
